<compile_context>
chip_gen: v7x
topology: tpu7x:2x2x1
jax: 0.10.2.dev20260603
libtpu: 0.0.44.dev20260713+nightly
codegen_flags: <defaults>
</compile_context>

<pallas_src>
import functools

import jax
import jax.numpy as jnp
from jax import lax
from jax.experimental import pallas as pl
from jax.experimental.pallas import tpu as pltpu
from jax.experimental.pallas import tpu_sc as plsc

DEG = 16
D_OUT = 256
LANES = 16
N_WORKERS = 32
NODES_PER_W = 320
N_PAD = N_WORKERS * NODES_PER_W
CHUNK = 8
N_CHUNKS = NODES_PER_W // CHUNK


def _matmul_body(x_ref, w_ref, o_ref):
    o_ref[...] = jnp.dot(x_ref[...], w_ref[...],
                         preferred_element_type=jnp.float32)


def _matmul(x, w):
    n, d_in = x.shape
    d_out = w.shape[1]
    blk = 1000
    return pl.pallas_call(
        _matmul_body,
        grid=(n // blk,),
        in_specs=[
            pl.BlockSpec((blk, d_in), lambda i: (i, 0)),
            pl.BlockSpec((d_in, d_out), lambda i: (0, 0)),
        ],
        out_specs=pl.BlockSpec((blk, d_out), lambda i: (i, 0)),
        out_shape=jax.ShapeDtypeStruct((n, d_out), jnp.float32),
    )(x, w)


_SORT8 = [(0, 1), (2, 3), (4, 5), (6, 7),
          (0, 2), (1, 3), (1, 2),
          (4, 6), (5, 7), (5, 6),
          (0, 4), (1, 5), (2, 6), (3, 7),
          (2, 4), (3, 5),
          (1, 2), (3, 4), (5, 6)]


def _sort8(v):
    v = list(v)
    for i, j in _SORT8:
        lo = jnp.minimum(v[i], v[j])
        hi = jnp.maximum(v[i], v[j])
        v[i], v[j] = lo, hi
    return v


def _median16(vs):
    a = _sort8(vs[:8])
    b = _sort8(vs[8:])
    m = [jnp.minimum(a[i], b[7 - i]) for i in range(8)]
    while len(m) > 1:
        nxt = [jnp.maximum(m[2 * i], m[2 * i + 1]) for i in range(len(m) // 2)]
        if len(m) % 2:
            nxt.append(m[-1])
        m = nxt
    return m[0]


@functools.partial(
    pl.kernel,
    out_type=jax.ShapeDtypeStruct((N_PAD, D_OUT), jnp.float32),
    mesh=plsc.VectorSubcoreMesh(core_axis_name="c", subcore_axis_name="s"),
    scratch_types=[
        pltpu.VMEM((CHUNK * DEG,), jnp.int32),
        pltpu.VMEM((CHUNK * DEG, D_OUT), jnp.float32),
        pltpu.VMEM((CHUNK, D_OUT), jnp.float32),
        pltpu.SemaphoreType.DMA,
    ],
)
def _sc_gather_median(h_hbm, nbr_hbm, out_hbm, idx_v, rows_v, out_v, sem):
    wid = lax.axis_index("s") * 2 + lax.axis_index("c")

    def chunk_body(t, carry):
        base = wid * NODES_PER_W + t * CHUNK
        pltpu.sync_copy(nbr_hbm.at[pl.ds(base * DEG, CHUNK * DEG)], idx_v)
        pltpu.async_copy(h_hbm.at[idx_v], rows_v, sem).wait()

        def node_body(j, carry2):
            def group_body(g, carry3):
                c0 = g * LANES
                vs = [rows_v[j * DEG + i, pl.ds(c0, LANES)]
                      for i in range(DEG)]
                out_v[j, pl.ds(c0, LANES)] = _median16(vs)
                return carry3

            lax.fori_loop(0, D_OUT // LANES, group_body, 0, unroll=False)
            return carry2

        lax.fori_loop(0, CHUNK, node_body, 0, unroll=False)
        pltpu.sync_copy(out_v, out_hbm.at[pl.ds(base, CHUNK)])
        return carry

    lax.fori_loop(0, N_CHUNKS, chunk_body, 0, unroll=False)


def kernel(x, neighbors, kernel):
    n = x.shape[0]
    h = _matmul(x, kernel)
    nbr = neighbors.astype(jnp.int32)
    nbr_flat = jnp.pad(nbr, ((0, N_PAD - n), (0, 0))).reshape(-1)
    out = _sc_gather_median(h, nbr_flat)
    return out[:n]

# --- scband reference (transcript-rebuilt; emitter-appended) ---
"""Pipeline reference for scband-median-convolution-5377299054734 (READ-ONLY COPY).

The authoritative reference and input builder live on the scoring server;
editing this copy changes nothing except your own understanding.
"""

import jax, jax.numpy as jnp
import numpy as np

N_NODES = 10000
DEG = 16
D_IN = 256
D_OUT = 256

def setup_inputs(seed: int = 0) -> dict:
    key = jax.random.key(seed)
    k1, k2, k3 = jax.random.split(key, 3)
    x = jax.random.normal(k1, (N_NODES, D_IN), dtype=jnp.float32)
    neighbors = jax.random.randint(k2, (N_NODES, DEG), 0, N_NODES, dtype=jnp.int64)
    # kernel initialized uniform like the torch module's reset_parameters
    bound = 1.0 / np.sqrt(D_IN)
    kernel = jax.random.uniform(k3, (D_IN, D_OUT), dtype=jnp.float32, minval=-bound, maxval=bound)
    return {"x": x, "neighbors": neighbors, "kernel": kernel}

def reference(x, neighbors, kernel):
    # h = x @ kernel  (linear transform)
    h = jnp.dot(x, kernel)
    # per-node neighbor gather: [N, deg, D_OUT]
    gathered = jnp.take(h, neighbors, axis=0)
    # torch.median returns the LOWER median for even counts: sorted index (deg-1)//2
    deg = neighbors.shape[1]
    med = jnp.sort(gathered, axis=1)[:, (deg - 1) // 2, :]
    # use_bias=False, activation=None (identity)
    return med

if __name__ == "__main__":
    import jax
    _d = setup_inputs()
    print(jax.jit(kernel)(*tuple(_d.values())))

</pallas_src>

<mosaic_0001>
#map = affine_map<(d0, d1) -> (0, 0)>
#map1 = affine_map<(d0, d1) -> (0)>
module attributes {stable_mosaic.version = 14 : i64} {
  func.func @_sc_gather_median(%arg0: i32, %arg1: i32, %arg2: memref<10000x256xf32, #tpu.memory_space<hbm>>, %arg3: memref<163840xi32, #tpu.memory_space<hbm>>, %arg4: memref<10240x256xf32, #tpu.memory_space<hbm>>, %arg5: memref<128xi32, #tpu.memory_space<vmem>>, %arg6: memref<128x256xf32, #tpu.memory_space<vmem>>, %arg7: memref<8x256xf32, #tpu.memory_space<vmem>>, %arg8: memref<!tpu.dma_semaphore, #tpu.memory_space<semaphore_mem>>) attributes {dimension_semantics = [#tpu.dimension_semantics<core_parallel>, #tpu.dimension_semantics<subcore_parallel>], iteration_bounds = array<i64: 2, 16>, scalar_prefetch = 0 : i64, scratch_operands = 4 : i64, tpu.core_type = #tpu.core_type<sc_vector_subcore>, window_params = [{transform_indices = #map}, {transform_indices = #map1}, {transform_indices = #map}]} {
    %mul3A = arith.constant 2 : i32
    %mul3A_0 = arith.muli %arg1, %mul3A : i32
    %add3A = arith.addi %mul3A_0, %arg0 : i32
    %scan3A = arith.constant 0 : i32
    %scan3A_1 = arith.constant 0 : i32
    %scan3A_2 = arith.constant 40 : i32
    %scan3A_3 = arith.addi %scan3A_1, %scan3A_2 : i32
    %scan3A_4 = arith.constant 1 : i32
    scf.for %scan3A_6 = %scan3A_1 to %scan3A_3 step %scan3A_4  : i32 {
      %mul3A_7 = arith.constant 320 : i32
      %mul3A_8 = arith.muli %add3A, %mul3A_7 : i32
      %mul3A_9 = arith.constant 8 : i32
      %mul3A_10 = arith.muli %scan3A_6, %mul3A_9 : i32
      %add3A_11 = arith.addi %mul3A_8, %mul3A_10 : i32
      %mul3A_12 = arith.constant 16 : i32
      %mul3A_13 = arith.muli %add3A_11, %mul3A_12 : i32
      "tpu.region"() ({
        %run_scoped3A = tpu.sem_alloc : memref<!tpu.dma_semaphore, #tpu.memory_space<semaphore_mem>>
        %dma_start3A_24 = tpu.memref_slice %arg3[%mul3A_13] : memref<163840xi32, #tpu.memory_space<hbm>> -> memref<128xi32, #tpu.memory_space<hbm>>
        %dma_start3A_25 = tpu.memref_slice %arg3[%mul3A_13] : memref<163840xi32, #tpu.memory_space<hbm>> -> memref<128xi32, #tpu.memory_space<hbm>>
        tpu.enqueue_dma source(%dma_start3A_25 : memref<128xi32, #tpu.memory_space<hbm>>) target(%arg5 : memref<128xi32, #tpu.memory_space<vmem>>) target_semaphore(%run_scoped3A : memref<!tpu.dma_semaphore, #tpu.memory_space<semaphore_mem>>)
        %dma_wait3A_26 = tpu.memref_slice %arg3[%mul3A_13] : memref<163840xi32, #tpu.memory_space<hbm>> -> memref<128xi32, #tpu.memory_space<hbm>>
        %dma_wait3A_27 = tpu.memref_slice %arg3[%mul3A_13] : memref<163840xi32, #tpu.memory_space<hbm>> -> memref<128xi32, #tpu.memory_space<hbm>>
        tpu.wait_dma2 semaphore(%run_scoped3A : memref<!tpu.dma_semaphore, #tpu.memory_space<semaphore_mem>>) src(%dma_wait3A_27 : memref<128xi32, #tpu.memory_space<hbm>>) dst(%arg5 : memref<128xi32, #tpu.memory_space<vmem>>)
        tpu.yield
      }) : () -> ()
      %dma_start3A = arith.constant 0 : i32
      %dma_start3A_14 = arith.constant 0 : i32
      %dma_start3A_15 = tpu.memref_slice %arg2[%dma_start3A, %dma_start3A_14] : memref<10000x256xf32, #tpu.memory_space<hbm>> -> memref<10000x256xf32, #tpu.memory_space<hbm>>
      tpu.enqueue_indirect_dma source(%dma_start3A_15 : memref<10000x256xf32, #tpu.memory_space<hbm>>) target(%arg6 : memref<128x256xf32, #tpu.memory_space<vmem>>) offsets(%arg5 : memref<128xi32, #tpu.memory_space<vmem>>) semaphore(%arg8 : memref<!tpu.dma_semaphore, #tpu.memory_space<semaphore_mem>>)
      %dma_wait3A = arith.constant 0 : i32
      %dma_wait3A_16 = arith.constant 0 : i32
      %dma_wait3A_17 = tpu.memref_slice %arg2[%dma_wait3A, %dma_wait3A_16] : memref<10000x256xf32, #tpu.memory_space<hbm>> -> memref<10000x256xf32, #tpu.memory_space<hbm>>
      tpu.wait_indirect_dma semaphore(%arg8 : memref<!tpu.dma_semaphore, #tpu.memory_space<semaphore_mem>>) src(%dma_wait3A_17 : memref<10000x256xf32, #tpu.memory_space<hbm>>) dst(%arg6 : memref<128x256xf32, #tpu.memory_space<vmem>>)
      %scan3A_18 = arith.constant 0 : i32
      %scan3A_19 = arith.constant 0 : i32
      %scan3A_20 = arith.constant 8 : i32
      %scan3A_21 = arith.addi %scan3A_19, %scan3A_20 : i32
      %scan3A_22 = arith.constant 1 : i32
      scf.for %scan3A_24 = %scan3A_19 to %scan3A_21 step %scan3A_22  : i32 {
        %scan3A_25 = arith.constant 0 : i32
        %scan3A_26 = arith.constant 0 : i32
        %scan3A_27 = arith.constant 16 : i32
        %scan3A_28 = arith.addi %scan3A_26, %scan3A_27 : i32
        %scan3A_29 = arith.constant 1 : i32
        scf.for %scan3A_31 = %scan3A_26 to %scan3A_28 step %scan3A_29  : i32 {
          %mul3A_32 = arith.constant 16 : i32
          %mul3A_33 = arith.muli %scan3A_31, %mul3A_32 : i32
          %mul3A_34 = arith.constant 16 : i32
          %mul3A_35 = arith.muli %scan3A_24, %mul3A_34 : i32
          %add3A_36 = arith.constant 0 : i32
          %add3A_37 = arith.addi %mul3A_35, %add3A_36 : i32
          %get3A = arith.index_cast %add3A_37 : i32 to index
          %get3A_38 = arith.index_cast %mul3A_33 : i32 to index
          %get3A_39 = tpu.vector_load %arg6[%get3A, %get3A_38] {strides = array<i32>} : memref<128x256xf32, #tpu.memory_space<vmem>>, vector<1x16xf32>,
          %get3A_40 = vector.shape_cast %get3A_39 : vector<1x16xf32> to vector<16xf32>
          %mul3A_41 = arith.constant 16 : i32
          %mul3A_42 = arith.muli %scan3A_24, %mul3A_41 : i32
          %add3A_43 = arith.constant 1 : i32
          %add3A_44 = arith.addi %mul3A_42, %add3A_43 : i32
          %get3A_45 = arith.index_cast %add3A_44 : i32 to index
          %get3A_46 = arith.index_cast %mul3A_33 : i32 to index
          %get3A_47 = tpu.vector_load %arg6[%get3A_45, %get3A_46] {strides = array<i32>} : memref<128x256xf32, #tpu.memory_space<vmem>>, vector<1x16xf32>,
          %get3A_48 = vector.shape_cast %get3A_47 : vector<1x16xf32> to vector<16xf32>
          %mul3A_49 = arith.constant 16 : i32
          %mul3A_50 = arith.muli %scan3A_24, %mul3A_49 : i32
          %add3A_51 = arith.constant 2 : i32
          %add3A_52 = arith.addi %mul3A_50, %add3A_51 : i32
          %get3A_53 = arith.index_cast %add3A_52 : i32 to index
          %get3A_54 = arith.index_cast %mul3A_33 : i32 to index
          %get3A_55 = tpu.vector_load %arg6[%get3A_53, %get3A_54] {strides = array<i32>} : memref<128x256xf32, #tpu.memory_space<vmem>>, vector<1x16xf32>,
          %get3A_56 = vector.shape_cast %get3A_55 : vector<1x16xf32> to vector<16xf32>
          %mul3A_57 = arith.constant 16 : i32
          %mul3A_58 = arith.muli %scan3A_24, %mul3A_57 : i32
          %add3A_59 = arith.constant 3 : i32
          %add3A_60 = arith.addi %mul3A_58, %add3A_59 : i32
          %get3A_61 = arith.index_cast %add3A_60 : i32 to index
          %get3A_62 = arith.index_cast %mul3A_33 : i32 to index
          %get3A_63 = tpu.vector_load %arg6[%get3A_61, %get3A_62] {strides = array<i32>} : memref<128x256xf32, #tpu.memory_space<vmem>>, vector<1x16xf32>,
          %get3A_64 = vector.shape_cast %get3A_63 : vector<1x16xf32> to vector<16xf32>
          %mul3A_65 = arith.constant 16 : i32
          %mul3A_66 = arith.muli %scan3A_24, %mul3A_65 : i32
          %add3A_67 = arith.constant 4 : i32
          %add3A_68 = arith.addi %mul3A_66, %add3A_67 : i32
          %get3A_69 = arith.index_cast %add3A_68 : i32 to index
          %get3A_70 = arith.index_cast %mul3A_33 : i32 to index
          %get3A_71 = tpu.vector_load %arg6[%get3A_69, %get3A_70] {strides = array<i32>} : memref<128x256xf32, #tpu.memory_space<vmem>>, vector<1x16xf32>,
          %get3A_72 = vector.shape_cast %get3A_71 : vector<1x16xf32> to vector<16xf32>
          %mul3A_73 = arith.constant 16 : i32
          %mul3A_74 = arith.muli %scan3A_24, %mul3A_73 : i32
          %add3A_75 = arith.constant 5 : i32
          %add3A_76 = arith.addi %mul3A_74, %add3A_75 : i32
          %get3A_77 = arith.index_cast %add3A_76 : i32 to index
          %get3A_78 = arith.index_cast %mul3A_33 : i32 to index
          %get3A_79 = tpu.vector_load %arg6[%get3A_77, %get3A_78] {strides = array<i32>} : memref<128x256xf32, #tpu.memory_space<vmem>>, vector<1x16xf32>,
          %get3A_80 = vector.shape_cast %get3A_79 : vector<1x16xf32> to vector<16xf32>
          %mul3A_81 = arith.constant 16 : i32
          %mul3A_82 = arith.muli %scan3A_24, %mul3A_81 : i32
          %add3A_83 = arith.constant 6 : i32
          %add3A_84 = arith.addi %mul3A_82, %add3A_83 : i32
          %get3A_85 = arith.index_cast %add3A_84 : i32 to index
          %get3A_86 = arith.index_cast %mul3A_33 : i32 to index
          %get3A_87 = tpu.vector_load %arg6[%get3A_85, %get3A_86] {strides = array<i32>} : memref<128x256xf32, #tpu.memory_space<vmem>>, vector<1x16xf32>,
          %get3A_88 = vector.shape_cast %get3A_87 : vector<1x16xf32> to vector<16xf32>
          %mul3A_89 = arith.constant 16 : i32
          %mul3A_90 = arith.muli %scan3A_24, %mul3A_89 : i32
          %add3A_91 = arith.constant 7 : i32
          %add3A_92 = arith.addi %mul3A_90, %add3A_91 : i32
          %get3A_93 = arith.index_cast %add3A_92 : i32 to index
          %get3A_94 = arith.index_cast %mul3A_33 : i32 to index
          %get3A_95 = tpu.vector_load %arg6[%get3A_93, %get3A_94] {strides = array<i32>} : memref<128x256xf32, #tpu.memory_space<vmem>>, vector<1x16xf32>,
          %get3A_96 = vector.shape_cast %get3A_95 : vector<1x16xf32> to vector<16xf32>
          %mul3A_97 = arith.constant 16 : i32
          %mul3A_98 = arith.muli %scan3A_24, %mul3A_97 : i32
          %add3A_99 = arith.constant 8 : i32
          %add3A_100 = arith.addi %mul3A_98, %add3A_99 : i32
          %get3A_101 = arith.index_cast %add3A_100 : i32 to index
          %get3A_102 = arith.index_cast %mul3A_33 : i32 to index
          %get3A_103 = tpu.vector_load %arg6[%get3A_101, %get3A_102] {strides = array<i32>} : memref<128x256xf32, #tpu.memory_space<vmem>>, vector<1x16xf32>,
          %get3A_104 = vector.shape_cast %get3A_103 : vector<1x16xf32> to vector<16xf32>
          %mul3A_105 = arith.constant 16 : i32
          %mul3A_106 = arith.muli %scan3A_24, %mul3A_105 : i32
          %add3A_107 = arith.constant 9 : i32
          %add3A_108 = arith.addi %mul3A_106, %add3A_107 : i32
          %get3A_109 = arith.index_cast %add3A_108 : i32 to index
          %get3A_110 = arith.index_cast %mul3A_33 : i32 to index
          %get3A_111 = tpu.vector_load %arg6[%get3A_109, %get3A_110] {strides = array<i32>} : memref<128x256xf32, #tpu.memory_space<vmem>>, vector<1x16xf32>,
          %get3A_112 = vector.shape_cast %get3A_111 : vector<1x16xf32> to vector<16xf32>
          %mul3A_113 = arith.constant 16 : i32
          %mul3A_114 = arith.muli %scan3A_24, %mul3A_113 : i32
          %add3A_115 = arith.constant 10 : i32
          %add3A_116 = arith.addi %mul3A_114, %add3A_115 : i32
          %get3A_117 = arith.index_cast %add3A_116 : i32 to index
          %get3A_118 = arith.index_cast %mul3A_33 : i32 to index
          %get3A_119 = tpu.vector_load %arg6[%get3A_117, %get3A_118] {strides = array<i32>} : memref<128x256xf32, #tpu.memory_space<vmem>>, vector<1x16xf32>,
          %get3A_120 = vector.shape_cast %get3A_119 : vector<1x16xf32> to vector<16xf32>
          %mul3A_121 = arith.constant 16 : i32
          %mul3A_122 = arith.muli %scan3A_24, %mul3A_121 : i32
          %add3A_123 = arith.constant 11 : i32
          %add3A_124 = arith.addi %mul3A_122, %add3A_123 : i32
          %get3A_125 = arith.index_cast %add3A_124 : i32 to index
          %get3A_126 = arith.index_cast %mul3A_33 : i32 to index
          %get3A_127 = tpu.vector_load %arg6[%get3A_125, %get3A_126] {strides = array<i32>} : memref<128x256xf32, #tpu.memory_space<vmem>>, vector<1x16xf32>,
          %get3A_128 = vector.shape_cast %get3A_127 : vector<1x16xf32> to vector<16xf32>
          %mul3A_129 = arith.constant 16 : i32
          %mul3A_130 = arith.muli %scan3A_24, %mul3A_129 : i32
          %add3A_131 = arith.constant 12 : i32
          %add3A_132 = arith.addi %mul3A_130, %add3A_131 : i32
          %get3A_133 = arith.index_cast %add3A_132 : i32 to index
          %get3A_134 = arith.index_cast %mul3A_33 : i32 to index
          %get3A_135 = tpu.vector_load %arg6[%get3A_133, %get3A_134] {strides = array<i32>} : memref<128x256xf32, #tpu.memory_space<vmem>>, vector<1x16xf32>,
          %get3A_136 = vector.shape_cast %get3A_135 : vector<1x16xf32> to vector<16xf32>
          %mul3A_137 = arith.constant 16 : i32
          %mul3A_138 = arith.muli %scan3A_24, %mul3A_137 : i32
          %add3A_139 = arith.constant 13 : i32
          %add3A_140 = arith.addi %mul3A_138, %add3A_139 : i32
          %get3A_141 = arith.index_cast %add3A_140 : i32 to index
          %get3A_142 = arith.index_cast %mul3A_33 : i32 to index
          %get3A_143 = tpu.vector_load %arg6[%get3A_141, %get3A_142] {strides = array<i32>} : memref<128x256xf32, #tpu.memory_space<vmem>>, vector<1x16xf32>,
          %get3A_144 = vector.shape_cast %get3A_143 : vector<1x16xf32> to vector<16xf32>
          %mul3A_145 = arith.constant 16 : i32
          %mul3A_146 = arith.muli %scan3A_24, %mul3A_145 : i32
          %add3A_147 = arith.constant 14 : i32
          %add3A_148 = arith.addi %mul3A_146, %add3A_147 : i32
          %get3A_149 = arith.index_cast %add3A_148 : i32 to index
          %get3A_150 = arith.index_cast %mul3A_33 : i32 to index
          %get3A_151 = tpu.vector_load %arg6[%get3A_149, %get3A_150] {strides = array<i32>} : memref<128x256xf32, #tpu.memory_space<vmem>>, vector<1x16xf32>,
          %get3A_152 = vector.shape_cast %get3A_151 : vector<1x16xf32> to vector<16xf32>
          %mul3A_153 = arith.constant 16 : i32
          %mul3A_154 = arith.muli %scan3A_24, %mul3A_153 : i32
          %add3A_155 = arith.constant 15 : i32
          %add3A_156 = arith.addi %mul3A_154, %add3A_155 : i32
          %get3A_157 = arith.index_cast %add3A_156 : i32 to index
          %get3A_158 = arith.index_cast %mul3A_33 : i32 to index
          %get3A_159 = tpu.vector_load %arg6[%get3A_157, %get3A_158] {strides = array<i32>} : memref<128x256xf32, #tpu.memory_space<vmem>>, vector<1x16xf32>,
          %get3A_160 = vector.shape_cast %get3A_159 : vector<1x16xf32> to vector<16xf32>
          %min3A = arith.minimumf %get3A_40, %get3A_48 : vector<16xf32>
          %max3A = arith.maximumf %get3A_40, %get3A_48 : vector<16xf32>
          %min3A_161 = arith.minimumf %get3A_56, %get3A_64 : vector<16xf32>
          %max3A_162 = arith.maximumf %get3A_56, %get3A_64 : vector<16xf32>
          %min3A_163 = arith.minimumf %get3A_72, %get3A_80 : vector<16xf32>
          %max3A_164 = arith.maximumf %get3A_72, %get3A_80 : vector<16xf32>
          %min3A_165 = arith.minimumf %get3A_88, %get3A_96 : vector<16xf32>
          %max3A_166 = arith.maximumf %get3A_88, %get3A_96 : vector<16xf32>
          %min3A_167 = arith.minimumf %min3A, %min3A_161 : vector<16xf32>
          %max3A_168 = arith.maximumf %min3A, %min3A_161 : vector<16xf32>
          %min3A_169 = arith.minimumf %max3A, %max3A_162 : vector<16xf32>
          %max3A_170 = arith.maximumf %max3A, %max3A_162 : vector<16xf32>
          %min3A_171 = arith.minimumf %min3A_169, %max3A_168 : vector<16xf32>
          %max3A_172 = arith.maximumf %min3A_169, %max3A_168 : vector<16xf32>
          %min3A_173 = arith.minimumf %min3A_163, %min3A_165 : vector<16xf32>
          %max3A_174 = arith.maximumf %min3A_163, %min3A_165 : vector<16xf32>
          %min3A_175 = arith.minimumf %max3A_164, %max3A_166 : vector<16xf32>
          %max3A_176 = arith.maximumf %max3A_164, %max3A_166 : vector<16xf32>
          %min3A_177 = arith.minimumf %min3A_175, %max3A_174 : vector<16xf32>
          %max3A_178 = arith.maximumf %min3A_175, %max3A_174 : vector<16xf32>
          %min3A_179 = arith.minimumf %min3A_167, %min3A_173 : vector<16xf32>
          %max3A_180 = arith.maximumf %min3A_167, %min3A_173 : vector<16xf32>
          %min3A_181 = arith.minimumf %min3A_171, %min3A_177 : vector<16xf32>
          %max3A_182 = arith.maximumf %min3A_171, %min3A_177 : vector<16xf32>
          %min3A_183 = arith.minimumf %max3A_172, %max3A_178 : vector<16xf32>
          %max3A_184 = arith.maximumf %max3A_172, %max3A_178 : vector<16xf32>
          %min3A_185 = arith.minimumf %max3A_170, %max3A_176 : vector<16xf32>
          %max3A_186 = arith.maximumf %max3A_170, %max3A_176 : vector<16xf32>
          %min3A_187 = arith.minimumf %min3A_183, %max3A_180 : vector<16xf32>
          %max3A_188 = arith.maximumf %min3A_183, %max3A_180 : vector<16xf32>
          %min3A_189 = arith.minimumf %min3A_185, %max3A_182 : vector<16xf32>
          %max3A_190 = arith.maximumf %min3A_185, %max3A_182 : vector<16xf32>
          %min3A_191 = arith.minimumf %min3A_181, %min3A_187 : vector<16xf32>
          %max3A_192 = arith.maximumf %min3A_181, %min3A_187 : vector<16xf32>
          %min3A_193 = arith.minimumf %min3A_189, %max3A_188 : vector<16xf32>
          %max3A_194 = arith.maximumf %min3A_189, %max3A_188 : vector<16xf32>
          %min3A_195 = arith.minimumf %max3A_190, %max3A_184 : vector<16xf32>
          %max3A_196 = arith.maximumf %max3A_190, %max3A_184 : vector<16xf32>
          %min3A_197 = arith.minimumf %get3A_104, %get3A_112 : vector<16xf32>
          %max3A_198 = arith.maximumf %get3A_104, %get3A_112 : vector<16xf32>
          %min3A_199 = arith.minimumf %get3A_120, %get3A_128 : vector<16xf32>
          %max3A_200 = arith.maximumf %get3A_120, %get3A_128 : vector<16xf32>
          %min3A_201 = arith.minimumf %get3A_136, %get3A_144 : vector<16xf32>
          %max3A_202 = arith.maximumf %get3A_136, %get3A_144 : vector<16xf32>
          %min3A_203 = arith.minimumf %get3A_152, %get3A_160 : vector<16xf32>
          %max3A_204 = arith.maximumf %get3A_152, %get3A_160 : vector<16xf32>
          %min3A_205 = arith.minimumf %min3A_197, %min3A_199 : vector<16xf32>
          %max3A_206 = arith.maximumf %min3A_197, %min3A_199 : vector<16xf32>
          %min3A_207 = arith.minimumf %max3A_198, %max3A_200 : vector<16xf32>
          %max3A_208 = arith.maximumf %max3A_198, %max3A_200 : vector<16xf32>
          %min3A_209 = arith.minimumf %min3A_207, %max3A_206 : vector<16xf32>
          %max3A_210 = arith.maximumf %min3A_207, %max3A_206 : vector<16xf32>
          %min3A_211 = arith.minimumf %min3A_201, %min3A_203 : vector<16xf32>
          %max3A_212 = arith.maximumf %min3A_201, %min3A_203 : vector<16xf32>
          %min3A_213 = arith.minimumf %max3A_202, %max3A_204 : vector<16xf32>
          %max3A_214 = arith.maximumf %max3A_202, %max3A_204 : vector<16xf32>
          %min3A_215 = arith.minimumf %min3A_213, %max3A_212 : vector<16xf32>
          %max3A_216 = arith.maximumf %min3A_213, %max3A_212 : vector<16xf32>
          %min3A_217 = arith.minimumf %min3A_205, %min3A_211 : vector<16xf32>
          %max3A_218 = arith.maximumf %min3A_205, %min3A_211 : vector<16xf32>
          %min3A_219 = arith.minimumf %min3A_209, %min3A_215 : vector<16xf32>
          %max3A_220 = arith.maximumf %min3A_209, %min3A_215 : vector<16xf32>
          %min3A_221 = arith.minimumf %max3A_210, %max3A_216 : vector<16xf32>
          %max3A_222 = arith.maximumf %max3A_210, %max3A_216 : vector<16xf32>
          %min3A_223 = arith.minimumf %max3A_208, %max3A_214 : vector<16xf32>
          %max3A_224 = arith.maximumf %max3A_208, %max3A_214 : vector<16xf32>
          %min3A_225 = arith.minimumf %min3A_221, %max3A_218 : vector<16xf32>
          %max3A_226 = arith.maximumf %min3A_221, %max3A_218 : vector<16xf32>
          %min3A_227 = arith.minimumf %min3A_223, %max3A_220 : vector<16xf32>
          %max3A_228 = arith.maximumf %min3A_223, %max3A_220 : vector<16xf32>
          %min3A_229 = arith.minimumf %min3A_219, %min3A_225 : vector<16xf32>
          %max3A_230 = arith.maximumf %min3A_219, %min3A_225 : vector<16xf32>
          %min3A_231 = arith.minimumf %min3A_227, %max3A_226 : vector<16xf32>
          %max3A_232 = arith.maximumf %min3A_227, %max3A_226 : vector<16xf32>
          %min3A_233 = arith.minimumf %max3A_228, %max3A_222 : vector<16xf32>
          %max3A_234 = arith.maximumf %max3A_228, %max3A_222 : vector<16xf32>
          %min3A_235 = arith.minimumf %min3A_179, %max3A_224 : vector<16xf32>
          %min3A_236 = arith.minimumf %min3A_191, %max3A_234 : vector<16xf32>
          %min3A_237 = arith.minimumf %max3A_192, %min3A_233 : vector<16xf32>
          %min3A_238 = arith.minimumf %min3A_193, %max3A_232 : vector<16xf32>
          %min3A_239 = arith.minimumf %max3A_194, %min3A_231 : vector<16xf32>
          %min3A_240 = arith.minimumf %min3A_195, %max3A_230 : vector<16xf32>
          %min3A_241 = arith.minimumf %max3A_196, %min3A_229 : vector<16xf32>
          %min3A_242 = arith.minimumf %max3A_186, %min3A_217 : vector<16xf32>
          %max3A_243 = arith.maximumf %min3A_235, %min3A_236 : vector<16xf32>
          %max3A_244 = arith.maximumf %min3A_237, %min3A_238 : vector<16xf32>
          %max3A_245 = arith.maximumf %min3A_239, %min3A_240 : vector<16xf32>
          %max3A_246 = arith.maximumf %min3A_241, %min3A_242 : vector<16xf32>
          %max3A_247 = arith.maximumf %max3A_243, %max3A_244 : vector<16xf32>
          %max3A_248 = arith.maximumf %max3A_245, %max3A_246 : vector<16xf32>
          %max3A_249 = arith.maximumf %max3A_247, %max3A_248 : vector<16xf32>
          %swap3A = arith.index_cast %scan3A_24 : i32 to index
          %swap3A_250 = arith.index_cast %mul3A_33 : i32 to index
          %swap3A_251 = tpu.vector_load %arg7[%swap3A, %swap3A_250] {strides = array<i32>} : memref<8x256xf32, #tpu.memory_space<vmem>>, vector<1x16xf32>,
          %swap3A_252 = vector.shape_cast %swap3A_251 : vector<1x16xf32> to vector<16xf32>
          %swap3A_253 = vector.shape_cast %max3A_249 : vector<16xf32> to vector<1x16xf32>
          tpu.vector_store %arg7[%swap3A, %swap3A_250], %swap3A_253 {strides = array<i32>} : memref<8x256xf32, #tpu.memory_space<vmem>>, vector<1x16xf32>,
        }
        %scan3A_30 = arith.constant 16 : i32
      }
      %scan3A_23 = arith.constant 8 : i32
      "tpu.region"() ({
        %run_scoped3A = tpu.sem_alloc : memref<!tpu.dma_semaphore, #tpu.memory_space<semaphore_mem>>
        %dma_start3A_24 = arith.constant 0 : i32
        %dma_start3A_25 = tpu.memref_slice %arg4[%add3A_11, %dma_start3A_24] : memref<10240x256xf32, #tpu.memory_space<hbm>> -> memref<8x256xf32, #tpu.memory_space<hbm>>
        %dma_start3A_26 = arith.constant 0 : i32
        %dma_start3A_27 = tpu.memref_slice %arg4[%add3A_11, %dma_start3A_26] : memref<10240x256xf32, #tpu.memory_space<hbm>> -> memref<8x256xf32, #tpu.memory_space<hbm>>
        tpu.enqueue_dma source(%arg7 : memref<8x256xf32, #tpu.memory_space<vmem>>) target(%dma_start3A_27 : memref<8x256xf32, #tpu.memory_space<hbm>>) target_semaphore(%run_scoped3A : memref<!tpu.dma_semaphore, #tpu.memory_space<semaphore_mem>>)
        %dma_wait3A_28 = arith.constant 0 : i32
        %dma_wait3A_29 = tpu.memref_slice %arg4[%add3A_11, %dma_wait3A_28] : memref<10240x256xf32, #tpu.memory_space<hbm>> -> memref<8x256xf32, #tpu.memory_space<hbm>>
        %dma_wait3A_30 = arith.constant 0 : i32
        %dma_wait3A_31 = tpu.memref_slice %arg4[%add3A_11, %dma_wait3A_30] : memref<10240x256xf32, #tpu.memory_space<hbm>> -> memref<8x256xf32, #tpu.memory_space<hbm>>
        tpu.wait_dma2 semaphore(%run_scoped3A : memref<!tpu.dma_semaphore, #tpu.memory_space<semaphore_mem>>) src(%arg7 : memref<8x256xf32, #tpu.memory_space<vmem>>) dst(%dma_wait3A_31 : memref<8x256xf32, #tpu.memory_space<hbm>>)
        tpu.yield
      }) : () -> ()
    }
    %scan3A_5 = arith.constant 40 : i32
    return
  }
}

module attributes {stable_mosaic.version = 14 : i64} {
  func.func @_matmul_body(%arg0: i32, %arg1: memref<1000x256xf32, #tpu.memory_space<vmem>>, %arg2: memref<256x256xf32, #tpu.memory_space<vmem>>, %arg3: memref<1000x256xf32, #tpu.memory_space<vmem>>) attributes {dimension_semantics = [#tpu.dimension_semantics<arbitrary>], iteration_bounds = array<i64: 10>, scalar_prefetch = 0 : i64, scratch_operands = 0 : i64, tpu.core_type = #tpu.core_type<tc>, window_params = [{transform_indices = @transform_0, window_bounds = array<i64: 1000, 256>}, {pipeline_mode = #tpu.pipeline_mode<synchronous>, transform_indices = @transform_1, window_bounds = array<i64: 256, 256>}, {transform_indices = @transform_2, window_bounds = array<i64: 1000, 256>}]} {
    %get3A = arith.constant 0 : index
    %get3A_0 = arith.constant 0 : index
    %get3A_1 = vector.load %arg1[%get3A, %get3A_0] : memref<1000x256xf32, #tpu.memory_space<vmem>>, vector<1000x256xf32>
    %get3A_2 = arith.constant 0 : index
    %get3A_3 = arith.constant 0 : index
    %get3A_4 = vector.load %arg2[%get3A_2, %get3A_3] : memref<256x256xf32, #tpu.memory_space<vmem>>, vector<256x256xf32>
    %dot_general3A = arith.constant dense<0.000000e+00> : vector<1000x256xf32>
    %dot_general3A_5 = tpu.matmul %get3A_1, %get3A_4, %dot_general3A {dimension_numbers = #tpu.dot_dimension_numbers<[1], [0], [0], [1], [0, 0, 1, 1], [], []>, transpose_lhs_hint = false} : vector<1000x256xf32>, vector<256x256xf32>, vector<1000x256xf32> -> vector<1000x256xf32>
    %swap3A = arith.constant 0 : index
    %swap3A_6 = arith.constant 0 : index
    %swap3A_7 = vector.load %arg3[%swap3A, %swap3A_6] : memref<1000x256xf32, #tpu.memory_space<vmem>>, vector<1000x256xf32>
    tpu.vector_store %arg3[%swap3A, %swap3A_6], %dot_general3A_5 {strides = array<i32>} : memref<1000x256xf32, #tpu.memory_space<vmem>>, vector<1000x256xf32>,
    return
  }
  func.func @transform_0(%arg0: i32) -> (i32, i32) {
    %c0_i32 = arith.constant 0 : i32
    %c0_i32_0 = arith.constant 0 : i32
    return %arg0, %c0_i32 : i32, i32
  }
  func.func @transform_1(%arg0: i32) -> (i32, i32) {
    %c0_i32 = arith.constant 0 : i32
    %c0_i32_0 = arith.constant 0 : i32
    %c0_i32_1 = arith.constant 0 : i32
    return %c0_i32, %c0_i32_0 : i32, i32
  }
  func.func @transform_2(%arg0: i32) -> (i32, i32) {
    %c0_i32 = arith.constant 0 : i32
    %c0_i32_0 = arith.constant 0 : i32
    return %arg0, %c0_i32 : i32, i32
  }
}

</mosaic_0001>

<sc_bundles>
// kernel: kernel.5.cloned.1.call-start
scs
__scs_entry_jumppad:
0x0: {  	(pc) =	sbr.rel $0x88, $3  }
0x1: {  	(tag) =	ssettag $0x0;
	lr =	simm.s32 $0x1  }
0x2: {  	[smem:$0x3F9E] =	sst lr;
	_ =	strace $0xD0000000  }
0x3: {  	_ = 	snop  }
0x4: {  	_ = 	snop  }
0x5: {  	_ = 	snop  }
0x6: {  	_ = 	snop  }
0x7: {  	_ = 	snop  }
__scs_overlays_trampoline_lowered:
0x8: {  	[smem:$0x3FAD] =	sst s0  }
0x9: {  	[smem:$0x3FAE] =	sst s1  }
0xa: {  	[smem:$0x3FAF] =	sst s2  }
0xb: {  	[smem:$0x3FB0] =	sst s3  }
0xc: {  	[smem:$0x3FB1] =	sst s4  }
0xd: {  	[smem:$0x3FB2] =	sst s5  }
0xe: {  	[smem:$0x3FB3] =	sst s6  }
0xf: {  	[smem:$0x3FB4] =	sst s7  }
0x10: {  	[smem:$0x3FB5] =	sst s8  }
0x11: {  	[smem:$0x3FB6] =	sst s9;
	s0 =	simm.s32 @!p0 $0x0  }
0x12: {  	s1 =	sld [smem:$0x3F9C];
	s0 =	simm.s32 @p0 $0x1  }
0x13: {  	[smem:$0x3FB7] =	sst s0;
	s0 =	simm.s32 @!p1 $0x0  }
0x14: {  	s2 =	sld [smem:$0x3F9B];
	s0 =	simm.s32 @p1 $0x1  }
0x15: {  	[smem:$0x3FB8] =	sst s0;
	s0 =	simm.s32 @!p2 $0x0  }
0x16: {  	s3 =	sld [smem:$0x3FDB];
	s0 =	simm.s32 @p2 $0x1  }
0x17: {  	s4 =	simm.s32 $0x1BF5;
	[smem:$0x3FBA] =	sst s0  }
0x18: {  	s0 =	sld [smem:$0x3F9D];
	_ =	swait.ge [sflag:s4], $0x0  }
0x19: {  	s7 =	sld [smem:$0x3F9E]  }
0x1a: {  	s8 =	sadd.s32 $0xFFFFE003, lr  }
0x1b: {  	s9 =	sadd.s32 $0xFFFFFEF7, lr;
	s5 =	simm.s32 $0xFFFFFFFF;
	p2 =	slt.u32 s8, $0xFFFFF086  }
0x1c: {  	p1 =	slt.u32 s9, $0xF7A;
	s5 =	simm.s32 @!p2 $0x0  }
0x1d: {  	s5 =	simm.s32 @p1 $0x1;
	p0 =	seq.s32 s7, s2  }
0x1e: {  	s7 =	smul.u32 @!p0 $0xF7A, s2;
	p2 =	seq.s32 @!p0 s5, $0x0  }
0x1f: {  	s9 =	smul.u32 $0xF7A, s1;
	s8 =	simm.s32 @!p0 $0x1BF5;
	p2 =	por !p2, p0  }
0x20: {  	[sflag:s8] =	ssyncset.s32 @!p0 $0xFFFFF086;
	s6 =	sadd.s32 @!p0 s3, s7;
	s7 =	simm.s32 @!p0 $0x108  }
0x21: {  	s3 =	sadd.s32 s3, s9;
	s6 =	sadd.s32 @!p0 $0x88, s6;
	s7 =	simm.s32 @p2 $0x1082  }
0x22: {  	[simem:s7], [sflag:s8] =	dma.local @!p0 [hbm:s6], $0xF7A  }
0x23: {  	s9 =	sor.u32 $0xD0000000, s2;
	s6 =	simm.s32 $0x108;
	_ =	swait.ge @!p0 [sflag:s8], $0x0  }
0x24: {  	s3 =	sadd.s32 $0x88, s3;
	s6 =	simm.s32 @!p1 $0x1082;
	[sflag:s4] =	ssyncset.s32 $0xFFFFF086  }
0x25: {  	[simem:s6], [sflag:s4] =	dma.local [hbm:s3], $0xF7A  }
0x26: {  	[smem:$0x3F9E] =	sst s1;
	(tag) =	ssettag s2;
	_ =	strace s9  }
0x27: {  	s1 =	sld [smem:$0x3FAE]  }
0x28: {  	s2 =	sld [smem:$0x3FAF]  }
0x29: {  	s4 =	sld [smem:$0x3FB1]  }
0x2a: {  	p0 =	seq.s32 s5, $0x0;
	s5 =	sld [smem:$0x3FB2]  }
0x2b: {  	s6 =	sld [smem:$0x3FB3]  }
0x2c: {  	s7 =	sld [smem:$0x3FB4]  }
0x2d: {  	s3 =	simm.s32 $0x108;
	s8 =	sld [smem:$0x3FB5]  }
0x2e: {  	s3 =	simm.s32 @!p0 $0x1082;
	s9 =	sld [smem:$0x3FB6]  }
0x2f: {  	lr =	sadd.s32 s0, s3;
	s0 =	sld [smem:$0x3FAD]  }
0x30: {  	s3 =	sld [smem:$0x3FB0]  }
0x31: {  	[smem:$0x3FB9] =	sst s10  }
0x32: {  	s10 =	sld [smem:$0x3FB7];
	_ =	sdelay $0x3  }
0x33: {  	p0 =	seq.s32 s10, $0x1;
	s10 =	sld [smem:$0x3FB9];
	_ =	sdelay $0x3  }
0x34: {  	[smem:$0x3FB9] =	sst s10  }
0x35: {  	s10 =	sld [smem:$0x3FB8];
	_ =	sdelay $0x3  }
0x36: {  	p1 =	seq.s32 s10, $0x1;
	s10 =	sld [smem:$0x3FB9];
	_ =	sdelay $0x3  }
0x37: {  	[smem:$0x3FB9] =	sst s10  }
0x38: {  	s10 =	sld [smem:$0x3FBA]  }
0x39: {  	_ = 	snop;
	(pc) =	sbr.ind lr, $3  }
0x3a: {  	_ = 	snop  }
0x3b: {  	_ = 	snop  }
0x3c: {  	p2 =	seq.s32 s10, $0x1;
	s10 =	sld [smem:$0x3FB9]  }
0x3d: {  	_ =	shalt  }
0x3e: {  	_ =	shalt  }
0x3f: {  	_ =	shalt  }
0x40: {  	_ =	shalt  }
0x41: {  	_ =	shalt  }
0x42: {  	_ =	shalt  }
0x43: {  	_ =	shalt  }
0x44: {  	_ =	shalt  }
0x45: {  	_ =	shalt  }
0x46: {  	_ =	shalt  }
0x47: {  	_ =	shalt  }
0x48: {  	_ =	shalt  }
0x49: {  	_ =	shalt  }
0x4a: {  	_ =	shalt  }
0x4b: {  	_ =	shalt  }
0x4c: {  	_ =	shalt  }
0x4d: {  	_ =	shalt  }
0x4e: {  	_ =	shalt  }
0x4f: {  	_ =	shalt  }
0x50: {  	_ =	shalt  }
0x51: {  	_ =	shalt  }
0x52: {  	_ =	shalt  }
0x53: {  	_ =	shalt  }
0x54: {  	_ =	shalt  }
0x55: {  	_ =	shalt  }
0x56: {  	_ =	shalt  }
0x57: {  	_ =	shalt  }
0x58: {  	_ =	shalt  }
0x59: {  	_ =	shalt  }
0x5a: {  	_ =	shalt  }
0x5b: {  	_ =	shalt  }
0x5c: {  	_ =	shalt  }
0x5d: {  	_ =	shalt  }
0x5e: {  	_ =	shalt  }
0x5f: {  	_ =	shalt  }
0x60: {  	_ =	shalt  }
0x61: {  	_ =	shalt  }
0x62: {  	_ =	shalt  }
0x63: {  	_ =	shalt  }
0x64: {  	_ =	shalt  }
0x65: {  	_ =	shalt  }
0x66: {  	_ =	shalt  }
0x67: {  	_ =	shalt  }
0x68: {  	_ =	shalt  }
0x69: {  	_ =	shalt  }
0x6a: {  	_ =	shalt  }
0x6b: {  	_ =	shalt  }
0x6c: {  	_ =	shalt  }
0x6d: {  	_ =	shalt  }
0x6e: {  	_ =	shalt  }
0x6f: {  	_ =	shalt  }
0x70: {  	_ =	shalt  }
0x71: {  	_ =	shalt  }
0x72: {  	_ =	shalt  }
0x73: {  	_ =	shalt  }
0x74: {  	_ =	shalt  }
0x75: {  	_ =	shalt  }
0x76: {  	_ =	shalt  }
0x77: {  	_ =	shalt  }
0x78: {  	_ =	shalt  }
0x79: {  	_ =	shalt  }
0x7a: {  	_ =	shalt  }
0x7b: {  	_ =	shalt  }
0x7c: {  	_ =	shalt  }
0x7d: {  	_ =	shalt  }
0x7e: {  	_ =	shalt  }
0x7f: {  	_ =	shalt  }
0x80: {  	_ =	shalt  }
0x81: {  	_ =	shalt  }
0x82: {  	_ =	shalt  }
0x83: {  	_ =	shalt  }
0x84: {  	_ =	shalt  }
0x85: {  	_ =	shalt  }
0x86: {  	_ =	shalt  }
0x87: {  	_ =	shalt  }
.Lfunc_end0:
.L_simem_size_0:
called_computation_lowered:
.L_overlay_start_0:
0x88: {  	s2 =	sld [smem:$0x3FD9]  }
0x89: {  	s3 =	sld [smem:$0x3FFE];
	_ =	sdelay $0x1  }
0x8a: {  	s1 =	srdreg.scid  }
0x8b: {  	s0 =	sand.u32 $0x1, s1  }
0x8c: {  	s17 =	sshll.u32 s0, $0xA;
	s2 =	sadd.s32 s3, s2  }
0x8d: {  	s2 =	sadd.s32 s2, s17  }
0x8e: {  	[smem:$0x3FC5] =	sst s2  }
0x8f: {  	_ = 	snop  }
0x90: {  	s2 =	sld [smem:$0x3FD0];
	(tm) =	ssettm $0x1  }
0x91: {  	s18 =	sld [smem:$0x3FFB];
	_ =	sdelay $0x3  }
0x92: {  	_ =	strace s18  }
0x93: {  	s3 =	sld [smem:$0x3FFC];
	_ =	sdelay $0x3  }
0x94: {  	_ =	strace s3  }
0x95: {  	s3 =	sld [smem:$0x3FFD];
	_ =	sdelay $0x3  }
0x96: {  	_ =	strace s3  }
0x97: {  	_ =	strace $0x8FFFFFFF  }
0x98: {  	s19 =	sld [smem:$0x3FDB];
	_ =	sdelay $0x1  }
0x99: {  	s4 =	simm.s32 $_scs_section_size  }
0x9a: {  	s5 =	simm.s32 $_size__tile_overlayer_lowered;
	s6 =	simm.s32 $_tile_overlayer_lowered  }
0x9b: {  	s22 =	simm.s32 $0x1BFF;
	s21 =	sshll.u32 s6, $0x1;
	s3 =	sadd.s32 s4, s19  }
0x9c: {  	s7 =	simm.s32 $0x0;
	s20 =	sshll.u32 s5, $0x1;
	s5 =	sadd.s32 s21, s3  }
0x9d: {  	[timem:s7], [sflag:s22] =	dma.local [hbm:s5], s20  }
0x9e: {  	_ =	swait.ge [sflag:s22], s20  }
0x9f: {  	s4 =	ssub.s32 $0x0, s20;
	[sflag:s22] =	ssyncset.done $0x0  }
0xa0: {  	[sflag:s22] =	ssyncadd.s32 s4;
	_ =	sdelay $0x1  }
0xa1: {  	s23 =	simm.s32 $0x1B8B  }
0xa2: {  	_ =	swait.ge [sflag:s23], $0x1  }
0xa3: {  	[sflag:s23] =	ssyncset.done $0x0  }
0xa4: {  	s25 =	simm.s32 $0x1B8E;
	s24 =	sld [smem:$0x3FFE];
	[sflag:s23] =	ssyncadd.s32 $0xFFFFFFFF  }
0xa5: {  	s26 =	simm.s32 $execute0_lowered;
	[smem:$0x3FD2] =	sst s25  }
0xa6: {  	s5 =	sshll.u32 s26, $0x1;
	_ =	strace $0x80000046;
	[dreg:$0x1] =	wrdreg $0xFFFFFFFF  }
0xa7: {  	s28 =	simm.s32 $_size_execute0_lowered;
	s3 =	sadd.s32 s3, s5;
	[dreg:$0x0] =	wrdreg $0x0  }
0xa8: {  	s5 =	sshll.u32 s28, $0x1;
	[dreg:$0x2] =	wrdreg s3  }
0xa9: {  	[dreg:$0x3] =	wrdreg s5  }
0xaa: {  	[dreg:$0x4] =	wrdreg $0xC0  }
0xab: {  	_ =	task [dreg:s7], $0x5FFFF  }
0xac: {  	[dreg:$0x1] =	wrdreg $0xFFFFFFFF  }
0xad: {  	[dreg:$0x0] =	wrdreg $0x60  }
0xae: {  	[dreg:$0x2] =	wrdreg s2  }
0xaf: {  	[dreg:$0x3] =	wrdreg s24  }
0xb0: {  	[dreg:$0x4] =	wrdreg $0x9  }
0xb1: {  	_ =	task.clear_ibuf [dreg:s7], $0x5FFFF;
	_ =	strace $0x90000046  }
0xb2: {  	s29 =	simm.s32 $0x9;
	_ =	strace $0x80000048  }
0xb3: {  	_ =	swait.ge [sflag:s29], $0x1  }
0xb4: {  	[sflag:s29] =	ssyncadd.s32 $0xFFFFFFFF  }
0xb5: {  	_ =	strace $0x90000048  }
0xb6: {  	_ =	sfence  }
0xb7: {  	s30 =	sld [smem:$0x0];
	_ =	sdelay $0x2  }
0xb8: {  	s31 =	sshll.u32 s1, $0xD;
	s1 =	sshrl.u32 s1, $0x2  }
0xb9: {  	s3 =	sand.u32 $0x4000, s31;
	s1 =	sadd.s32 s1, s30  }
0xba: {  	s0 =	sor.u32 s3, s0;
	s1 =	sshll.u32 s1, $0x11  }
0xbb: {  	s0 =	sor.u32 s1, s0  }
0xbc: {  	s0 =	sadd.s32 $0x8F2B, s0  }
0xbd: {  	[sflag:s0] =	ssyncadd.remote.s32 $0x1  }
0xbe: {  	_ =	sfence.sel $0xFFFF  }
0xbf: {  	[dreg:$0x0] =	wrdreg $0xFFFFFFFF;
	(pc) =	sbr.abs _section_cstart, $3  }
0xc0: {  	[dreg:$0x1] =	wrdreg $0xFFFFFFFF  }
0xc1: {  	_ =	task.clear_ibuf [dreg:s7], $0x2FFFF;
	_ =	strace $0x9FFFFFFF  }
0xc2: {  	(tm) =	ssettm $0x7FFFFFFF  }
0xc3: {  	_ =	shalt  }
tec
execute0_lowered:
.L_overlay_start_1:
0x0: {  	(tag) =	ssettag $0x1  }
0x1: {  	s1 =	rddreg [dreg:$0x0]  }
0x2: {  	s0 =	rddreg [dreg:$0x1];
	s3 =	simm.s32 $0x0  }
0x3: {  	s2 =	srdreg.scid;
	s4 =	stileid.u32;
	s8 =	simm.s32 $0x2  }
0x4: {  	s15 =	simm.s32 $0x3080;
	s16 =	simm.s32 $0x3880;
	s17 =	simm.s32 $0x4080  }
0x5: {  	s18 =	simm.s32 $0x4880;
	s19 =	simm.s32 $0x5080;
	s20 =	simm.s32 $0x5880  }
0x6: {  	s21 =	simm.s32 $0x6080;
	s22 =	simm.s32 $0x6880;
	s23 =	simm.s32 $0x7080  }
0x7: {  	s24 =	simm.s32 $0x7880;
	s25 =	simm.s32 $0x1;
	s2 =	sand.u32 $0x1, s2  }
0x8: {  	s26 =	simm.s32 $0x8080;
	s31 =	simm.s32 $0x0;
	s29 =	ssub.s32 $0x2, s2  }
0x9: {  	[smem:$0x7FF] =	sst s3;
	s5 =	sshll.u32 s4, $0x1;
	s6 =	sshrl.u32 s29, $0x1  }
0xa: {  	v2 =	vlaneseq.u32;
	s4 =	sadd.s32 $0x1400, s0;
	_ =	strace $0x80000047;
	s30 =	ssub.s32 s29, s6  }
0xb: {  	vm0 =	vmmov $0xffff;
	v1 =	vshrl.u32 v2, $0x3;
	s2 =	sor.u32 s2, s5;
	s5 =	sadd.s32 $0x6400, s0;
	s0 =	smax.u32 s30, $0x1  }
0xc: {  	v0 =	vand.u32 $0x7, v2;
	v2 =	vor.u32 $0x8, v2;
	v1 =	vmul.u32 $0x8, v1;
	s6 =	smul.u32 $0x140, s2;
	s2 =	simm.s32 $0x0;
	[dreg:$0x3] =	wrdreg s0  }
.LBB2_1:
0xd: {  	[dreg:$0x4] =	wrdreg s2;
	s29 =	simm.s32 $0x0  }
.LBB2_2:
0xe: {  	s0 =	sshll.u32 s29, $0x3  }
0xf: {  	s30 =	sadd.s32 s6, s0  }
0x10: {  	s0 =	sshll.u32 s30, $0x1  }
0x11: {  	s0 =	sadd.s32 s4, s0  }
0x12: {  	[tilespmem:s31], [sflag:$0x2] =	stream.linear.gather [hbm4b:s0+s31], $0x80, $0x38;
	[tilespmem:$0x8880] =	vst v63  }
0x13: {  	_ =	swait.ge [sflag:s8], $0x80  }
0x14: {  	[sflag:s8] =	ssyncset.done $0x0  }
0x15: {  	[sflag:s8] =	ssyncadd.s32 $0xFFFFFF80  }
0x16: {  	v3 =	vld [tilespmem:$0x0];
	_ =	sdelay $0x4  }
0x17: {  	v4 =	vshll.u32 v3, $0x1  }
0x18: {  	v3 =	vand.u32 $0x7, v3;
	v4 =	vand.u32 $0xFFFFFFF0, v4  }
0x19: {  	v3 =	vor.u32 v3, v4  }
0x1a: {  	v4 =	vperm.xlane v3, v0;
	_ =	sdelay $0x1  }
0x1b: {  	v3 =	vperm.xlane v3, v2;
	v4 =	vadd.s32 v1, v4;
	_ =	sdelay $0x1  }
0x1c: {  	v3 =	vadd.s32 v1, v3;
	_ =	sdelay $0x1  }
0x1d: {  	s10 =	simm.s32 $0x80  }
0x1e: {  	[tilespmem:s10], [sflag:$0x1] =	stream.indirect_vreg.gather [hbm4b:s1+s31], $0x80, v4, vm0, $0xb8;
	[tilespmem:$0x8880] =	vst v63  }
0x1f: {  	s11 =	simm.s32 $0x880  }
0x20: {  	[tilespmem:s11], [sflag:$0x1] =	stream.indirect_vreg.gather [hbm4b:s1+s31], $0x80, v3, vm0, $0xb8;
	[tilespmem:$0x8880] =	vst v63  }
0x21: {  	v3 =	vld [tilespmem:$0x10];
	_ =	sdelay $0x4  }
0x22: {  	v57 =	vshll.u32 v3, $0x1  }
0x23: {  	v3 =	vand.u32 $0x7, v3;
	v4 =	vand.u32 $0xFFFFFFF0, v57  }
0x24: {  	v3 =	vor.u32 v3, v4  }
0x25: {  	v4 =	vperm.xlane v3, v0;
	_ =	sdelay $0x1  }
0x26: {  	v3 =	vperm.xlane v3, v2;
	v4 =	vadd.s32 v1, v4;
	_ =	sdelay $0x1  }
0x27: {  	v3 =	vadd.s32 v1, v3;
	_ =	sdelay $0x1  }
0x28: {  	s12 =	simm.s32 $0x1080  }
0x29: {  	[tilespmem:s12], [sflag:$0x1] =	stream.indirect_vreg.gather [hbm4b:s1+s31], $0x80, v4, vm0, $0xb8;
	[tilespmem:$0x8880] =	vst v63  }
0x2a: {  	s13 =	simm.s32 $0x1880  }
0x2b: {  	[tilespmem:s13], [sflag:$0x1] =	stream.indirect_vreg.gather [hbm4b:s1+s31], $0x80, v3, vm0, $0xb8;
	[tilespmem:$0x8880] =	vst v63  }
0x2c: {  	v3 =	vld [tilespmem:$0x20];
	_ =	sdelay $0x4  }
0x2d: {  	v58 =	vshll.u32 v3, $0x1  }
0x2e: {  	v3 =	vand.u32 $0x7, v3;
	v4 =	vand.u32 $0xFFFFFFF0, v58  }
0x2f: {  	v3 =	vor.u32 v3, v4  }
0x30: {  	v4 =	vperm.xlane v3, v0;
	_ =	sdelay $0x1  }
0x31: {  	v3 =	vperm.xlane v3, v2;
	v4 =	vadd.s32 v1, v4;
	_ =	sdelay $0x1  }
0x32: {  	v3 =	vadd.s32 v1, v3;
	_ =	sdelay $0x1  }
0x33: {  	s14 =	simm.s32 $0x2080  }
0x34: {  	[tilespmem:s14], [sflag:$0x1] =	stream.indirect_vreg.gather [hbm4b:s1+s31], $0x80, v4, vm0, $0xb8;
	[tilespmem:$0x8880] =	vst v63  }
0x35: {  	s28 =	simm.s32 $0x2880  }
0x36: {  	[tilespmem:s28], [sflag:$0x1] =	stream.indirect_vreg.gather [hbm4b:s1+s31], $0x80, v3, vm0, $0xb8;
	[tilespmem:$0x8880] =	vst v63  }
0x37: {  	v3 =	vld [tilespmem:$0x30];
	_ =	sdelay $0x4  }
0x38: {  	v59 =	vshll.u32 v3, $0x1  }
0x39: {  	v3 =	vand.u32 $0x7, v3;
	v4 =	vand.u32 $0xFFFFFFF0, v59  }
0x3a: {  	v3 =	vor.u32 v3, v4  }
0x3b: {  	v4 =	vperm.xlane v3, v0;
	_ =	sdelay $0x1  }
0x3c: {  	v3 =	vperm.xlane v3, v2;
	v4 =	vadd.s32 v1, v4;
	_ =	sdelay $0x1  }
0x3d: {  	v3 =	vadd.s32 v1, v3;
	_ =	sdelay $0x2  }
0x3e: {  	[tilespmem:s15], [sflag:$0x1] =	stream.indirect_vreg.gather [hbm4b:s1+s31], $0x80, v4, vm0, $0xb8;
	[tilespmem:$0x8880] =	vst v63  }
0x3f: {  	_ = 	snop  }
0x40: {  	[tilespmem:s16], [sflag:$0x1] =	stream.indirect_vreg.gather [hbm4b:s1+s31], $0x80, v3, vm0, $0xb8;
	[tilespmem:$0x8880] =	vst v63  }
0x41: {  	v3 =	vld [tilespmem:$0x40];
	_ =	sdelay $0x4  }
0x42: {  	v60 =	vshll.u32 v3, $0x1  }
0x43: {  	v3 =	vand.u32 $0x7, v3;
	v4 =	vand.u32 $0xFFFFFFF0, v60  }
0x44: {  	v3 =	vor.u32 v3, v4  }
0x45: {  	v4 =	vperm.xlane v3, v0;
	_ =	sdelay $0x1  }
0x46: {  	v3 =	vperm.xlane v3, v2;
	v4 =	vadd.s32 v1, v4;
	_ =	sdelay $0x1  }
0x47: {  	v3 =	vadd.s32 v1, v3;
	_ =	sdelay $0x2  }
0x48: {  	[tilespmem:s17], [sflag:$0x1] =	stream.indirect_vreg.gather [hbm4b:s1+s31], $0x80, v4, vm0, $0xb8;
	[tilespmem:$0x8880] =	vst v63  }
0x49: {  	_ = 	snop  }
0x4a: {  	[tilespmem:s18], [sflag:$0x1] =	stream.indirect_vreg.gather [hbm4b:s1+s31], $0x80, v3, vm0, $0xb8;
	[tilespmem:$0x8880] =	vst v63  }
0x4b: {  	v3 =	vld [tilespmem:$0x50];
	_ =	sdelay $0x4  }
0x4c: {  	v61 =	vshll.u32 v3, $0x1  }
0x4d: {  	v3 =	vand.u32 $0x7, v3;
	v4 =	vand.u32 $0xFFFFFFF0, v61  }
0x4e: {  	v3 =	vor.u32 v3, v4  }
0x4f: {  	v4 =	vperm.xlane v3, v0;
	_ =	sdelay $0x1  }
0x50: {  	v3 =	vperm.xlane v3, v2;
	v4 =	vadd.s32 v1, v4;
	_ =	sdelay $0x1  }
0x51: {  	v3 =	vadd.s32 v1, v3;
	_ =	sdelay $0x2  }
0x52: {  	[tilespmem:s19], [sflag:$0x1] =	stream.indirect_vreg.gather [hbm4b:s1+s31], $0x80, v4, vm0, $0xb8;
	[tilespmem:$0x8880] =	vst v63  }
0x53: {  	_ = 	snop  }
0x54: {  	[tilespmem:s20], [sflag:$0x1] =	stream.indirect_vreg.gather [hbm4b:s1+s31], $0x80, v3, vm0, $0xb8;
	[tilespmem:$0x8880] =	vst v63  }
0x55: {  	v3 =	vld [tilespmem:$0x60];
	_ =	sdelay $0x4  }
0x56: {  	v62 =	vshll.u32 v3, $0x1  }
0x57: {  	v3 =	vand.u32 $0x7, v3;
	v4 =	vand.u32 $0xFFFFFFF0, v62  }
0x58: {  	v3 =	vor.u32 v3, v4  }
0x59: {  	v4 =	vperm.xlane v3, v0;
	_ =	sdelay $0x1  }
0x5a: {  	v3 =	vperm.xlane v3, v2;
	v4 =	vadd.s32 v1, v4;
	_ =	sdelay $0x1  }
0x5b: {  	v3 =	vadd.s32 v1, v3;
	_ =	sdelay $0x2  }
0x5c: {  	[tilespmem:s21], [sflag:$0x1] =	stream.indirect_vreg.gather [hbm4b:s1+s31], $0x80, v4, vm0, $0xb8;
	[tilespmem:$0x8880] =	vst v63  }
0x5d: {  	_ = 	snop  }
0x5e: {  	[tilespmem:s22], [sflag:$0x1] =	stream.indirect_vreg.gather [hbm4b:s1+s31], $0x80, v3, vm0, $0xb8;
	[tilespmem:$0x8880] =	vst v63  }
0x5f: {  	v3 =	vld [tilespmem:$0x70];
	_ =	sdelay $0x4  }
0x60: {  	v63 =	vshll.u32 v3, $0x1  }
0x61: {  	v3 =	vand.u32 $0x7, v3;
	v4 =	vand.u32 $0xFFFFFFF0, v63  }
0x62: {  	v3 =	vor.u32 v3, v4  }
0x63: {  	v4 =	vperm.xlane v3, v0;
	_ =	sdelay $0x1  }
0x64: {  	v3 =	vperm.xlane v3, v2;
	v4 =	vadd.s32 v1, v4;
	_ =	sdelay $0x1  }
0x65: {  	v3 =	vadd.s32 v1, v3;
	_ =	sdelay $0x2  }
0x66: {  	[tilespmem:s23], [sflag:$0x1] =	stream.indirect_vreg.gather [hbm4b:s1+s31], $0x80, v4, vm0, $0xb8;
	[tilespmem:$0x8880] =	vst v63  }
0x67: {  	_ = 	snop  }
0x68: {  	[tilespmem:s24], [sflag:$0x1] =	stream.indirect_vreg.gather [hbm4b:s1+s31], $0x80, v3, vm0, $0xb8;
	[tilespmem:$0x8880] =	vst v63  }
0x69: {  	_ =	swait.ge [sflag:s25], $0x8000  }
0x6a: {  	[sflag:s25] =	ssyncset.done $0x0  }
0x6b: {  	s0 =	simm.s32 $0x0;
	[sflag:s25] =	ssyncadd.s32 $0xFFFF8000  }
.LBB2_3:
0x6c: {  	s2 =	sshll.u32 s0, $0xC  }
0x6d: {  	s2 =	sand.u32 $0x3FFFF000, s2  }
0x6e: {  	s10 =	sand.u32 $0x400, s31;
	s7 =	sor.u32 $0x80, s2  }
0x6f: {  	s13 =	sand.u32 $0x70, s31;
	s3 =	sadd.s32 s10, s7  }
0x70: {  	s11 =	sadd.s32 s13, s3  }
0x71: {  	v4 =	vld [tilespmem:s11+$0x300]  }
0x72: {  	v3 =	vld [tilespmem:s11+$0x200]  }
0x73: {  	s14 =	sshll.u32 s0, $0x7;
	v6 =	vld [tilespmem:s11+$0x0]  }
0x74: {  	s3 =	sand.u32 $0x3FFFFF80, s14;
	v5 =	vld [tilespmem:s11+$0x380]  }
0x75: {  	s28 =	sor.u32 $0x880, s2;
	s3 =	sadd.s32 $0x8080, s3;
	v8 =	vld [tilespmem:s11+$0x80]  }
0x76: {  	s9 =	simm.s32 $0x10;
	s2 =	sadd.s32 s10, s28;
	v7 =	vld [tilespmem:s11+$0x180];
	s10 =	sadd.s32 s10, s3  }
0x77: {  	s12 =	sadd.s32 s13, s2;
	v9 =	vld [tilespmem:s11+$0x100];
	s2 =	sadd.s32 s13, s10;
	s10 =	simm.s32 $0x0  }
.LBB2_4:
0x78: {  	p0 =	sne.s32 s9, $0xF0  }
0x79: {  	v10 =	vld [tilespmem:s11+$0x280];
	s10 =	sadd.s32 $0x80, s10;
	s13 =	smov.u32 s9;
	s9 =	sadd.s32 $0x10, s9  }
0x7a: {  	v11 =	vld [tilespmem:s11+$0xB80]  }
0x7b: {  	v12 =	vld [tilespmem:s11+$0xB00]  }
0x7c: {  	v14 =	vmin.f32 v6, v8;
	v6 =	vmax.f32 v6, v8;
	v13 =	vld [tilespmem:s11+$0xA80]  }
0x7d: {  	v8 =	vld [tilespmem:s11+$0xA00];
	v15 =	vmin.f32 v9, v7;
	v7 =	vmax.f32 v9, v7;
	v9 =	vmin.f32 v4, v5  }
0x7e: {  	v4 =	vmax.f32 v4, v5;
	v16 =	vld [tilespmem:s11+$0x980];
	v17 =	vmax.f32 v3, v10;
	v5 =	vmax.f32 v14, v15  }
0x7f: {  	v19 =	vmin.f32 v6, v7;
	v6 =	vmax.f32 v6, v7;
	v18 =	vld [tilespmem:s11+$0x900];
	v7 =	vmax.f32 v17, v4  }
0x80: {  	v14 =	vmin.f32 v14, v15;
	v20 =	vld [tilespmem:s11+$0x880];
	v15 =	vmax.f32 v6, v7;
	v21 =	vmax.f32 v12, v11  }
0x81: {  	v23 =	vmin.f32 v19, v5;
	v4 =	vmin.f32 v17, v4;
	v11 =	vmin.f32 v12, v11;
	v22 =	vld [tilespmem:s12+$0x0]  }
0x82: {  	v3 =	vmin.f32 v3, v10;
	v10 =	vmin.f32 v8, v13;
	v8 =	vmax.f32 v8, v13  }
0x83: {  	v6 =	vmin.f32 v6, v7;
	v7 =	vmax.f32 v10, v11;
	v12 =	vmin.f32 v8, v21  }
0x84: {  	v10 =	vmin.f32 v10, v11;
	v13 =	vmin.f32 v18, v16;
	v11 =	vmin.f32 v12, v7  }
0x85: {  	v17 =	vmin.f32 v3, v9;
	v3 =	vmax.f32 v3, v9;
	v9 =	vmax.f32 v18, v16  }
0x86: {  	v5 =	vmax.f32 v19, v5;
	v8 =	vmax.f32 v8, v21;
	v16 =	vmax.f32 v22, v20  }
0x87: {  	v18 =	vmax.f32 v4, v3;
	v19 =	vmin.f32 v22, v20;
	v20 =	vmax.f32 v16, v9  }
0x88: {  	v21 =	vmax.f32 v14, v17;
	v22 =	vmin.f32 v19, v13;
	v24 =	vmax.f32 v20, v8  }
0x89: {  	v25 =	vmin.f32 v5, v18;
	v26 =	vmax.f32 v22, v10;
	v8 =	vmin.f32 v20, v8  }
0x8a: {  	v3 =	vmin.f32 v4, v3;
	v4 =	vmin.f32 v14, v17;
	v9 =	vmin.f32 v16, v9  }
0x8b: {  	v14 =	vmin.f32 v23, v3;
	v3 =	vmax.f32 v23, v3;
	v10 =	vmin.f32 v22, v10  }
0x8c: {  	v7 =	vmax.f32 v12, v7;
	v13 =	vmax.f32 v19, v13;
	v4 =	vmin.f32 v4, v24  }
0x8d: {  	v5 =	vmax.f32 v5, v18;
	v12 =	vmax.f32 v6, v3;
	v16 =	vmax.f32 v9, v13  }
0x8e: {  	v17 =	vmin.f32 v25, v21;
	v18 =	vmin.f32 v16, v7;
	v10 =	vmin.f32 v15, v10  }
0x8f: {  	v9 =	vmin.f32 v9, v13;
	v15 =	vmax.f32 v25, v21;
	v13 =	vmax.f32 v18, v26  }
0x90: {  	v3 =	vmin.f32 v6, v3;
	v6 =	vmin.f32 v9, v11;
	v18 =	vmin.f32 v18, v26  }
0x91: {  	v9 =	vmax.f32 v9, v11;
	v19 =	vmax.f32 v3, v15;
	v11 =	vmax.f32 v6, v18  }
0x92: {  	s14 =	sand.u32 $0x400, s10;
	v3 =	vmin.f32 v3, v15;
	v15 =	vmin.f32 v8, v9;
	v8 =	vmax.f32 v8, v9  }
0x93: {  	s13 =	sand.u32 $0x70, s13;
	s11 =	sadd.s32 s14, s7;
	s12 =	sadd.s32 s14, s28;
	v20 =	vmax.f32 v12, v5;
	v7 =	vmax.f32 v16, v7;
	v9 =	vmin.f32 v14, v17  }
0x94: {  	s11 =	sadd.s32 s13, s11;
	s14 =	sadd.s32 s14, s3;
	s12 =	sadd.s32 s13, s12;
	v5 =	vmin.f32 v12, v5;
	v12 =	vmin.f32 v8, v7;
	v7 =	vmax.f32 v8, v7  }
0x95: {  	s13 =	sadd.s32 s13, s14;
	v6 =	vmin.f32 v6, v18;
	v8 =	vmin.f32 v15, v13;
	v7 =	vmin.f32 v9, v7  }
0x96: {  	v13 =	vmax.f32 v15, v13;
	v9 =	vmax.f32 v14, v17;
	v8 =	vmin.f32 v19, v8  }
0x97: {  	v3 =	vmin.f32 v3, v13;
	v5 =	vmin.f32 v5, v11;
	v9 =	vmin.f32 v9, v12  }
0x98: {  	v6 =	vmin.f32 v20, v6;
	v4 =	vmax.f32 v4, v7;
	v3 =	vmax.f32 v9, v3  }
0x99: {  	v5 =	vmax.f32 v8, v5;
	v6 =	vmax.f32 v6, v10;
	v3 =	vmax.f32 v4, v3  }
0x9a: {  	v4 =	vmax.f32 v5, v6  }
0x9b: {  	v3 =	vmax.f32 v3, v4  }
0x9c: {  	[tilespmem:s2+$0x0] =	vst v3;
	s2 =	smov.u32 s13  }
0x9d: {  	v4 =	vld [tilespmem:s11+$0x300]  }
0x9e: {  	v3 =	vld [tilespmem:s11+$0x200]  }
.Ltmp0:
0x9f: {  	v6 =	vld [tilespmem:s11+$0x0];
	(pc) =	sbr.rel @p0 .LBB2_4-.Ltmp0, $4  }
0xa0: {  	v5 =	vld [tilespmem:s11+$0x380]  }
0xa1: {  	v8 =	vld [tilespmem:s11+$0x80]  }
0xa2: {  	v7 =	vld [tilespmem:s11+$0x180]  }
0xa3: {  	v9 =	vld [tilespmem:s11+$0x100]  }
0xa4: {  	v10 =	vld [tilespmem:s11+$0x280]  }
0xa5: {  	v11 =	vld [tilespmem:s11+$0xB80]  }
0xa6: {  	v12 =	vld [tilespmem:s11+$0xB00]  }
0xa7: {  	v13 =	vld [tilespmem:s11+$0xA80]  }
0xa8: {  	v25 =	vld [tilespmem:s11+$0xA00]  }
0xa9: {  	v16 =	vld [tilespmem:s11+$0x980]  }
0xaa: {  	v18 =	vld [tilespmem:s11+$0x900]  }
0xab: {  	v30 =	vld [tilespmem:s11+$0x880];
	v27 =	vmin.f32 v4, v5  }
0xac: {  	v22 =	vld [tilespmem:s12+$0x0];
	v28 =	vmax.f32 v4, v5;
	v14 =	vmin.f32 v6, v8;
	v24 =	vmax.f32 v6, v8  }
0xad: {  	v15 =	vmin.f32 v9, v7;
	v26 =	vmax.f32 v9, v7;
	v17 =	vmax.f32 v3, v10  }
0xae: {  	v29 =	vmax.f32 v14, v15;
	v19 =	vmax.f32 v24, v26;
	v6 =	vmin.f32 v24, v26  }
0xaf: {  	v14 =	vmin.f32 v14, v15;
	v21 =	vmax.f32 v12, v11;
	v11 =	vmin.f32 v12, v11  }
0xb0: {  	v3 =	vmin.f32 v3, v10;
	v32 =	vmin.f32 v25, v13;
	v8 =	vmax.f32 v25, v13  }
0xb1: {  	v36 =	vmin.f32 v18, v16;
	v39 =	vmax.f32 v18, v16;
	v40 =	vmax.f32 v22, v30  }
0xb2: {  	v7 =	vmin.f32 v22, v30;
	v20 =	vmax.f32 v17, v28;
	v23 =	vmin.f32 v6, v29  }
0xb3: {  	v4 =	vmin.f32 v17, v28;
	v34 =	vmax.f32 v32, v11;
	v35 =	vmin.f32 v8, v21  }
0xb4: {  	v10 =	vmin.f32 v32, v11;
	v38 =	vmin.f32 v3, v27;
	v3 =	vmax.f32 v3, v27  }
0xb5: {  	v5 =	vmax.f32 v6, v29;
	v8 =	vmax.f32 v8, v21;
	v18 =	vmax.f32 v40, v39  }
0xb6: {  	v22 =	vmin.f32 v7, v36;
	v6 =	vmin.f32 v40, v39;
	v7 =	vmax.f32 v7, v36  }
0xb7: {  	v31 =	vmax.f32 v19, v20;
	v33 =	vmin.f32 v19, v20;
	v37 =	vmin.f32 v35, v34  }
0xb8: {  	v41 =	vmax.f32 v4, v3;
	v42 =	vmax.f32 v14, v38;
	v24 =	vmax.f32 v18, v8  }
0xb9: {  	v26 =	vmax.f32 v22, v10;
	v8 =	vmin.f32 v18, v8;
	v3 =	vmin.f32 v4, v3  }
0xba: {  	v43 =	vmin.f32 v14, v38;
	v10 =	vmin.f32 v22, v10;
	v13 =	vmax.f32 v35, v34  }
0xbb: {  	v45 =	vmax.f32 v6, v7;
	v6 =	vmin.f32 v6, v7;
	v25 =	vmin.f32 v5, v41  }
0xbc: {  	v44 =	vmin.f32 v23, v3;
	v3 =	vmax.f32 v23, v3;
	v4 =	vmin.f32 v43, v24  }
0xbd: {  	v5 =	vmax.f32 v5, v41;
	v48 =	vmin.f32 v45, v13;
	v10 =	vmin.f32 v31, v10  }
0xbe: {  	v51 =	vmin.f32 v6, v37;
	v6 =	vmax.f32 v6, v37;
	v13 =	vmax.f32 v45, v13  }
0xbf: {  	v46 =	vmax.f32 v33, v3;
	v47 =	vmin.f32 v25, v42;
	v49 =	vmax.f32 v25, v42  }
0xc0: {  	v50 =	vmax.f32 v48, v26;
	v3 =	vmin.f32 v33, v3;
	v18 =	vmin.f32 v48, v26  }
0xc1: {  	v54 =	vmin.f32 v8, v6;
	v6 =	vmax.f32 v8, v6;
	v52 =	vmax.f32 v3, v49  }
0xc2: {  	v53 =	vmax.f32 v51, v18;
	v3 =	vmin.f32 v3, v49;
	v55 =	vmin.f32 v44, v47  }
0xc3: {  	v56 =	vmax.f32 v46, v5;
	v5 =	vmin.f32 v46, v5;
	v57 =	vmin.f32 v6, v13  }
0xc4: {  	v6 =	vmax.f32 v6, v13;
	v12 =	vmin.f32 v51, v18;
	v58 =	vmin.f32 v54, v50  }
0xc5: {  	s0 =	sadd.s32 $0x1, s0;
	v59 =	vmax.f32 v44, v47;
	v7 =	vmax.f32 v54, v50;
	v6 =	vmin.f32 v55, v6  }
0xc6: {  	p0 =	sne.s32 s0, $0x8;
	v60 =	vmin.f32 v52, v58;
	v8 =	vmin.f32 v59, v57;
	v3 =	vmin.f32 v3, v7  }
.Ltmp1:
0xc7: {  	v5 =	vmin.f32 v5, v53;
	v61 =	vmin.f32 v56, v12;
	v4 =	vmax.f32 v4, v6;
	(pc) =	sbr.rel @p0 .LBB2_3-.Ltmp1, $4  }
0xc8: {  	v3 =	vmax.f32 v8, v3;
	v5 =	vmax.f32 v60, v5;
	v62 =	vmax.f32 v61, v10  }
0xc9: {  	v3 =	vmax.f32 v4, v3;
	v63 =	vmax.f32 v5, v62  }
0xca: {  	v3 =	vmax.f32 v3, v63  }
0xcb: {  	[tilespmem:s2+$0x0] =	vst v3  }
0xcc: {  	s29 =	sadd.s32 $0x1, s29  }
0xcd: {  	s0 =	sshll.u32 s30, $0x5;
	p0 =	sne.s32 s29, $0x28  }
.Ltmp2:
0xce: {  	s2 =	simm.s32 $0x0;
	s0 =	sadd.s32 s5, s0;
	(pc) =	sbr.rel @p0 .LBB2_2-.Ltmp2, $4  }
0xcf: {  	[hbm4b:s0+s2] =	stream.linear.scatter [tilespmem:s26], [sflag:$0x2], $0x800, $0x38;
	[tilespmem:$0x8880] =	vst v63  }
0xd0: {  	_ =	swait.ge [sflag:s8], $0x800  }
0xd1: {  	[sflag:s8] =	ssyncset.done $0x0  }
0xd2: {  	[sflag:s8] =	ssyncadd.s32 $0xFFFFF800  }
0xd3: {  	s2 =	rddreg [dreg:$0x4]  }
0xd4: {  	s0 =	rddreg [dreg:$0x3];
	s2 =	sadd.s32 $0x1, s2  }
0xd5: {  	p0 =	sne.s32 s2, s0  }
.Ltmp3:
0xd6: {  	_ = 	snop;
	(pc) =	sbr.rel @p0 .LBB2_1-.Ltmp3, $1  }
0xd7: {  	_ =	sdelay $0x3  }
0xd8: {  	_ =	sfence.sel $0x180000  }
0xd9: {  	[bflag:$0x0] =	sbarrier.arrive $0xFFFF  }
0xda: {  	_ =	strace $0x90000047  }
0xdb: {  	s0 =	stileid.u32;
	[bflag:$0x2] =	sbarrier.arrive $0xFFFF  }
0xdc: {  	p0 =	sne.s32 s0, $0x0;
	s0 =	rddreg [dreg:$0x2]  }
0xdd: {  	s0 =	sadd.s32 @!p0 $0x100000, s0  }
0xde: {  	[sflag:s0] =	ssyncadd.tile.s32 @!p0 $0x1;
	_ =	shalt  }
.Lfunc_end2:
_tile_overlayer_lowered:
.L_overlay_start_2:
0xdf: {  	(tag) =	ssettag $0x2  }
0xe0: {  	s0 =	rddreg [dreg:$0x0];
	s2 =	stileid.u32  }
0xe1: {  	s1 =	rddreg [dreg:$0x1];
	p0 =	sne.s32 s2, $0x0  }
0xe2: {  	s3 =	rddreg [dreg:$0x2];
	[bflag:$0x3] =	sbarrier.arrive $0xFFFF;
	s2 =	simm.s32 @!p0 $0x1C02  }
0xe3: {  	[timem:s3], [sflag:s2] =	dma.local @!p0 [hbm:s0], s1  }
0xe4: {  	s0 =	simm.s32 @!p0 $0x2  }
0xe5: {  	_ =	swait.ge @!p0 [sflag:s0], s1  }
0xe6: {  	s1 =	ssub.s32 @!p0 $0x0, s1;
	[sflag:s0] =	ssyncset.done @!p0 $0x0  }
0xe7: {  	[sflag:s0] =	ssyncadd.s32 @!p0 s1  }
0xe8: {  	[bflag:$0x3] =	sbarrier.arrive $0xFFFF  }
0xe9: {  	_ =	shalt  }

</sc_bundles>
